<compile_context>
chip_gen: v7x
topology: tpu7x:2x2x1
jax: 0.10.2.dev20260603
libtpu: 0.0.44.dev20260713+nightly
codegen_flags: <defaults>
</compile_context>

<pallas_src>
import functools

import jax
import jax.numpy as jnp
from jax import lax
from jax.experimental import pallas as pl
from jax.experimental.pallas import tpu as pltpu
from jax.experimental.pallas import tpu_sc as plsc

B = 64
P = 576
D = 384
NC = 2
NS = 16
NW = NC * NS
PW = P // NW
PWP = 24
BB = 8


CH = 16
NCH = P // CH


def _make_gather_kernel():
    mesh = plsc.VectorSubcoreMesh(core_axis_name="c", subcore_axis_name="s")

    @functools.partial(
        pl.kernel,
        mesh=mesh,
        out_type=jax.ShapeDtypeStruct((P, D), jnp.float32),
        scratch_types=[
            pltpu.VMEM((CH,), jnp.int32),
            pltpu.VMEM((CH, D), jnp.float32),
            pltpu.SemaphoreType.DMA,
        ],
    )
    def sc_gather(table_hbm, pos_hbm, out_hbm, idx_v, trows_v, gsem):
        wid = lax.axis_index("s") * NC + lax.axis_index("c")

        def do_chunk(chunk):
            pltpu.sync_copy(pos_hbm.at[pl.ds(chunk * CH, CH)], idx_v)
            pltpu.async_copy(table_hbm.at[idx_v], trows_v, gsem).wait()
            pltpu.sync_copy(trows_v, out_hbm.at[pl.ds(chunk * CH, CH)])

        do_chunk(wid)

        @pl.when(wid < NCH - NW)
        def _():
            do_chunk(wid + NW)

    return sc_gather


_sc_gather = _make_gather_kernel()


def _add_body(patches_ref, emb_ref, out_ref):
    out_ref[...] = patches_ref[...] + emb_ref[...][None]


_tc_add = pl.pallas_call(
    _add_body,
    grid=(B // BB,),
    in_specs=[
        pl.BlockSpec((BB, P, D), lambda i: (i, 0, 0)),
        pl.BlockSpec((P, D), lambda i: (0, 0)),
    ],
    out_specs=pl.BlockSpec((BB, P, D), lambda i: (i, 0, 0)),
    out_shape=jax.ShapeDtypeStruct((B, P, D), jnp.float32),
)


def kernel(encoded_patches, pos_embedding_table, positions):
    gathered = _sc_gather(pos_embedding_table, positions)
    return _tc_add(encoded_patches, gathered)

# --- scband reference (transcript-rebuilt; emitter-appended) ---
"""Pipeline reference for scband-patch-encoder-12369505812906 (READ-ONLY COPY).

The authoritative reference and input builder live on the scoring server;
editing this copy changes nothing except your own understanding.
"""

import jax, jax.numpy as jnp
import numpy as np

NUM_PATCHES = (384 // 16) ** 2  # 576
PROJ_DIM = 384
BATCH = 64

def setup_inputs(seed: int = 0) -> dict:
    key = jax.random.key(seed)
    k1, k2 = jax.random.split(key)
    encoded_patches = jax.random.normal(k1, (BATCH, NUM_PATCHES, PROJ_DIM), dtype=jnp.float32)
    # Keras Embedding default init: uniform(-0.05, 0.05)
    pos_embedding_table = jax.random.uniform(k2, (NUM_PATCHES, PROJ_DIM), dtype=jnp.float32, minval=-0.05, maxval=0.05)
    positions = jnp.arange(NUM_PATCHES, dtype=jnp.int32)
    return {"encoded_patches": encoded_patches, "pos_embedding_table": pos_embedding_table, "positions": positions}

def reference(encoded_patches, pos_embedding_table, positions):
    # embedding lookup: table[positions] -> [num_patches, proj_dim]
    encoded_positions = jnp.take(pos_embedding_table, positions, axis=0)
    # broadcast add over batch dim
    return encoded_patches + encoded_positions

if __name__ == "__main__":
    import jax
    _d = setup_inputs()
    print(jax.jit(kernel)(*tuple(_d.values())))

</pallas_src>

<mosaic_0001>
#map = affine_map<(d0, d1) -> (0, 0)>
#map1 = affine_map<(d0, d1) -> (0)>
module attributes {stable_mosaic.version = 14 : i64} {
  func.func @sc_gather(%arg0: i32, %arg1: i32, %arg2: memref<576x384xf32, #tpu.memory_space<hbm>>, %arg3: memref<576xi32, #tpu.memory_space<hbm>>, %arg4: memref<576x384xf32, #tpu.memory_space<hbm>>, %arg5: memref<16xi32, #tpu.memory_space<vmem>>, %arg6: memref<16x384xf32, #tpu.memory_space<vmem>>, %arg7: memref<!tpu.dma_semaphore, #tpu.memory_space<semaphore_mem>>) attributes {dimension_semantics = [#tpu.dimension_semantics<core_parallel>, #tpu.dimension_semantics<subcore_parallel>], iteration_bounds = array<i64: 2, 16>, scalar_prefetch = 0 : i64, scratch_operands = 3 : i64, tpu.core_type = #tpu.core_type<sc_vector_subcore>, window_params = [{transform_indices = #map}, {transform_indices = #map1}, {transform_indices = #map}]} {
    %mul3A = arith.constant 2 : i32
    %mul3A_0 = arith.muli %arg1, %mul3A : i32
    %add3A = arith.addi %mul3A_0, %arg0 : i32
    %mul3A_1 = arith.constant 16 : i32
    %mul3A_2 = arith.muli %add3A, %mul3A_1 : i32
    "tpu.region"() ({
      %run_scoped3A = tpu.sem_alloc : memref<!tpu.dma_semaphore, #tpu.memory_space<semaphore_mem>>
      %dma_start3A_11 = tpu.memref_slice %arg3[%mul3A_2] : memref<576xi32, #tpu.memory_space<hbm>> -> memref<16xi32, #tpu.memory_space<hbm>>
      %dma_start3A_12 = tpu.memref_slice %arg3[%mul3A_2] : memref<576xi32, #tpu.memory_space<hbm>> -> memref<16xi32, #tpu.memory_space<hbm>>
      tpu.enqueue_dma source(%dma_start3A_12 : memref<16xi32, #tpu.memory_space<hbm>>) target(%arg5 : memref<16xi32, #tpu.memory_space<vmem>>) target_semaphore(%run_scoped3A : memref<!tpu.dma_semaphore, #tpu.memory_space<semaphore_mem>>)
      %dma_wait3A_13 = tpu.memref_slice %arg3[%mul3A_2] : memref<576xi32, #tpu.memory_space<hbm>> -> memref<16xi32, #tpu.memory_space<hbm>>
      %dma_wait3A_14 = tpu.memref_slice %arg3[%mul3A_2] : memref<576xi32, #tpu.memory_space<hbm>> -> memref<16xi32, #tpu.memory_space<hbm>>
      tpu.wait_dma2 semaphore(%run_scoped3A : memref<!tpu.dma_semaphore, #tpu.memory_space<semaphore_mem>>) src(%dma_wait3A_14 : memref<16xi32, #tpu.memory_space<hbm>>) dst(%arg5 : memref<16xi32, #tpu.memory_space<vmem>>)
      tpu.yield
    }) : () -> ()
    %dma_start3A = arith.constant 0 : i32
    %dma_start3A_3 = arith.constant 0 : i32
    %dma_start3A_4 = tpu.memref_slice %arg2[%dma_start3A, %dma_start3A_3] : memref<576x384xf32, #tpu.memory_space<hbm>> -> memref<576x384xf32, #tpu.memory_space<hbm>>
    tpu.enqueue_indirect_dma source(%dma_start3A_4 : memref<576x384xf32, #tpu.memory_space<hbm>>) target(%arg6 : memref<16x384xf32, #tpu.memory_space<vmem>>) offsets(%arg5 : memref<16xi32, #tpu.memory_space<vmem>>) semaphore(%arg7 : memref<!tpu.dma_semaphore, #tpu.memory_space<semaphore_mem>>)
    %dma_wait3A = arith.constant 0 : i32
    %dma_wait3A_5 = arith.constant 0 : i32
    %dma_wait3A_6 = tpu.memref_slice %arg2[%dma_wait3A, %dma_wait3A_5] : memref<576x384xf32, #tpu.memory_space<hbm>> -> memref<576x384xf32, #tpu.memory_space<hbm>>
    tpu.wait_indirect_dma semaphore(%arg7 : memref<!tpu.dma_semaphore, #tpu.memory_space<semaphore_mem>>) src(%dma_wait3A_6 : memref<576x384xf32, #tpu.memory_space<hbm>>) dst(%arg6 : memref<16x384xf32, #tpu.memory_space<vmem>>)
    %mul3A_7 = arith.constant 16 : i32
    %mul3A_8 = arith.muli %add3A, %mul3A_7 : i32
    "tpu.region"() ({
      %run_scoped3A = tpu.sem_alloc : memref<!tpu.dma_semaphore, #tpu.memory_space<semaphore_mem>>
      %dma_start3A_11 = arith.constant 0 : i32
      %dma_start3A_12 = tpu.memref_slice %arg4[%mul3A_8, %dma_start3A_11] : memref<576x384xf32, #tpu.memory_space<hbm>> -> memref<16x384xf32, #tpu.memory_space<hbm>>
      %dma_start3A_13 = arith.constant 0 : i32
      %dma_start3A_14 = tpu.memref_slice %arg4[%mul3A_8, %dma_start3A_13] : memref<576x384xf32, #tpu.memory_space<hbm>> -> memref<16x384xf32, #tpu.memory_space<hbm>>
      tpu.enqueue_dma source(%arg6 : memref<16x384xf32, #tpu.memory_space<vmem>>) target(%dma_start3A_14 : memref<16x384xf32, #tpu.memory_space<hbm>>) target_semaphore(%run_scoped3A : memref<!tpu.dma_semaphore, #tpu.memory_space<semaphore_mem>>)
      %dma_wait3A_15 = arith.constant 0 : i32
      %dma_wait3A_16 = tpu.memref_slice %arg4[%mul3A_8, %dma_wait3A_15] : memref<576x384xf32, #tpu.memory_space<hbm>> -> memref<16x384xf32, #tpu.memory_space<hbm>>
      %dma_wait3A_17 = arith.constant 0 : i32
      %dma_wait3A_18 = tpu.memref_slice %arg4[%mul3A_8, %dma_wait3A_17] : memref<576x384xf32, #tpu.memory_space<hbm>> -> memref<16x384xf32, #tpu.memory_space<hbm>>
      tpu.wait_dma2 semaphore(%run_scoped3A : memref<!tpu.dma_semaphore, #tpu.memory_space<semaphore_mem>>) src(%arg6 : memref<16x384xf32, #tpu.memory_space<vmem>>) dst(%dma_wait3A_18 : memref<16x384xf32, #tpu.memory_space<hbm>>)
      tpu.yield
    }) : () -> ()
    %lt3A = arith.constant 4 : i32
    %lt3A_9 = arith.cmpi slt, %add3A, %lt3A : i32
    %convert_element_type3A = arith.extui %lt3A_9 : i1 to i32
    %cond3A = arith.constant 0 : i32
    %cond3A_10 = arith.cmpi ne, %convert_element_type3A, %cond3A : i32
    scf.if %cond3A_10 {
      %add3A_11 = arith.constant 32 : i32
      %add3A_12 = arith.addi %add3A, %add3A_11 : i32
      %mul3A_13 = arith.constant 16 : i32
      %mul3A_14 = arith.muli %add3A_12, %mul3A_13 : i32
      "tpu.region"() ({
        %run_scoped3A = tpu.sem_alloc : memref<!tpu.dma_semaphore, #tpu.memory_space<semaphore_mem>>
        %dma_start3A_23 = tpu.memref_slice %arg3[%mul3A_14] : memref<576xi32, #tpu.memory_space<hbm>> -> memref<16xi32, #tpu.memory_space<hbm>>
        %dma_start3A_24 = tpu.memref_slice %arg3[%mul3A_14] : memref<576xi32, #tpu.memory_space<hbm>> -> memref<16xi32, #tpu.memory_space<hbm>>
        tpu.enqueue_dma source(%dma_start3A_24 : memref<16xi32, #tpu.memory_space<hbm>>) target(%arg5 : memref<16xi32, #tpu.memory_space<vmem>>) target_semaphore(%run_scoped3A : memref<!tpu.dma_semaphore, #tpu.memory_space<semaphore_mem>>)
        %dma_wait3A_25 = tpu.memref_slice %arg3[%mul3A_14] : memref<576xi32, #tpu.memory_space<hbm>> -> memref<16xi32, #tpu.memory_space<hbm>>
        %dma_wait3A_26 = tpu.memref_slice %arg3[%mul3A_14] : memref<576xi32, #tpu.memory_space<hbm>> -> memref<16xi32, #tpu.memory_space<hbm>>
        tpu.wait_dma2 semaphore(%run_scoped3A : memref<!tpu.dma_semaphore, #tpu.memory_space<semaphore_mem>>) src(%dma_wait3A_26 : memref<16xi32, #tpu.memory_space<hbm>>) dst(%arg5 : memref<16xi32, #tpu.memory_space<vmem>>)
        tpu.yield
      }) : () -> ()
      %dma_start3A_15 = arith.constant 0 : i32
      %dma_start3A_16 = arith.constant 0 : i32
      %dma_start3A_17 = tpu.memref_slice %arg2[%dma_start3A_15, %dma_start3A_16] : memref<576x384xf32, #tpu.memory_space<hbm>> -> memref<576x384xf32, #tpu.memory_space<hbm>>
      tpu.enqueue_indirect_dma source(%dma_start3A_17 : memref<576x384xf32, #tpu.memory_space<hbm>>) target(%arg6 : memref<16x384xf32, #tpu.memory_space<vmem>>) offsets(%arg5 : memref<16xi32, #tpu.memory_space<vmem>>) semaphore(%arg7 : memref<!tpu.dma_semaphore, #tpu.memory_space<semaphore_mem>>)
      %dma_wait3A_18 = arith.constant 0 : i32
      %dma_wait3A_19 = arith.constant 0 : i32
      %dma_wait3A_20 = tpu.memref_slice %arg2[%dma_wait3A_18, %dma_wait3A_19] : memref<576x384xf32, #tpu.memory_space<hbm>> -> memref<576x384xf32, #tpu.memory_space<hbm>>
      tpu.wait_indirect_dma semaphore(%arg7 : memref<!tpu.dma_semaphore, #tpu.memory_space<semaphore_mem>>) src(%dma_wait3A_20 : memref<576x384xf32, #tpu.memory_space<hbm>>) dst(%arg6 : memref<16x384xf32, #tpu.memory_space<vmem>>)
      %mul3A_21 = arith.constant 16 : i32
      %mul3A_22 = arith.muli %add3A_12, %mul3A_21 : i32
      "tpu.region"() ({
        %run_scoped3A = tpu.sem_alloc : memref<!tpu.dma_semaphore, #tpu.memory_space<semaphore_mem>>
        %dma_start3A_23 = arith.constant 0 : i32
        %dma_start3A_24 = tpu.memref_slice %arg4[%mul3A_22, %dma_start3A_23] : memref<576x384xf32, #tpu.memory_space<hbm>> -> memref<16x384xf32, #tpu.memory_space<hbm>>
        %dma_start3A_25 = arith.constant 0 : i32
        %dma_start3A_26 = tpu.memref_slice %arg4[%mul3A_22, %dma_start3A_25] : memref<576x384xf32, #tpu.memory_space<hbm>> -> memref<16x384xf32, #tpu.memory_space<hbm>>
        tpu.enqueue_dma source(%arg6 : memref<16x384xf32, #tpu.memory_space<vmem>>) target(%dma_start3A_26 : memref<16x384xf32, #tpu.memory_space<hbm>>) target_semaphore(%run_scoped3A : memref<!tpu.dma_semaphore, #tpu.memory_space<semaphore_mem>>)
        %dma_wait3A_27 = arith.constant 0 : i32
        %dma_wait3A_28 = tpu.memref_slice %arg4[%mul3A_22, %dma_wait3A_27] : memref<576x384xf32, #tpu.memory_space<hbm>> -> memref<16x384xf32, #tpu.memory_space<hbm>>
        %dma_wait3A_29 = arith.constant 0 : i32
        %dma_wait3A_30 = tpu.memref_slice %arg4[%mul3A_22, %dma_wait3A_29] : memref<576x384xf32, #tpu.memory_space<hbm>> -> memref<16x384xf32, #tpu.memory_space<hbm>>
        tpu.wait_dma2 semaphore(%run_scoped3A : memref<!tpu.dma_semaphore, #tpu.memory_space<semaphore_mem>>) src(%arg6 : memref<16x384xf32, #tpu.memory_space<vmem>>) dst(%dma_wait3A_30 : memref<16x384xf32, #tpu.memory_space<hbm>>)
        tpu.yield
      }) : () -> ()
    } else {
    }
    return
  }
}

module attributes {stable_mosaic.version = 14 : i64} {
  func.func @_add_body(%arg0: i32, %arg1: memref<8x576x384xf32, #tpu.memory_space<vmem>>, %arg2: memref<576x384xf32, #tpu.memory_space<vmem>>, %arg3: memref<8x576x384xf32, #tpu.memory_space<vmem>>) attributes {dimension_semantics = [#tpu.dimension_semantics<arbitrary>], iteration_bounds = array<i64: 8>, scalar_prefetch = 0 : i64, scratch_operands = 0 : i64, tpu.core_type = #tpu.core_type<tc>, window_params = [{transform_indices = @transform_0, window_bounds = array<i64: 8, 576, 384>}, {pipeline_mode = #tpu.pipeline_mode<synchronous>, transform_indices = @transform_1, window_bounds = array<i64: 576, 384>}, {transform_indices = @transform_2, window_bounds = array<i64: 8, 576, 384>}]} {
    %get3A = arith.constant 0 : index
    %get3A_0 = arith.constant 0 : index
    %get3A_1 = arith.constant 0 : index
    %get3A_2 = vector.load %arg1[%get3A, %get3A_0, %get3A_1] : memref<8x576x384xf32, #tpu.memory_space<vmem>>, vector<8x576x384xf32>
    %get3A_3 = arith.constant 0 : index
    %get3A_4 = arith.constant 0 : index
    %get3A_5 = vector.load %arg2[%get3A_3, %get3A_4] : memref<576x384xf32, #tpu.memory_space<vmem>>, vector<576x384xf32>
    %broadcast_in_dim3A = vector.shape_cast %get3A_5 : vector<576x384xf32> to vector<1x576x384xf32>
    %add3A = vector.broadcast %broadcast_in_dim3A : vector<1x576x384xf32> to vector<8x576x384xf32>
    %add3A_6 = arith.addf %get3A_2, %add3A : vector<8x576x384xf32>
    %swap3A = arith.constant 0 : index
    %swap3A_7 = arith.constant 0 : index
    %swap3A_8 = arith.constant 0 : index
    %swap3A_9 = vector.load %arg3[%swap3A, %swap3A_7, %swap3A_8] : memref<8x576x384xf32, #tpu.memory_space<vmem>>, vector<8x576x384xf32>
    tpu.vector_store %arg3[%swap3A, %swap3A_7, %swap3A_8], %add3A_6 {strides = array<i32>} : memref<8x576x384xf32, #tpu.memory_space<vmem>>, vector<8x576x384xf32>,
    return
  }
  func.func @transform_0(%arg0: i32) -> (i32, i32, i32) {
    %c0_i32 = arith.constant 0 : i32
    %c0_i32_0 = arith.constant 0 : i32
    %c0_i32_1 = arith.constant 0 : i32
    return %arg0, %c0_i32, %c0_i32_0 : i32, i32, i32
  }
  func.func @transform_1(%arg0: i32) -> (i32, i32) {
    %c0_i32 = arith.constant 0 : i32
    %c0_i32_0 = arith.constant 0 : i32
    %c0_i32_1 = arith.constant 0 : i32
    return %c0_i32, %c0_i32_0 : i32, i32
  }
  func.func @transform_2(%arg0: i32) -> (i32, i32, i32) {
    %c0_i32 = arith.constant 0 : i32
    %c0_i32_0 = arith.constant 0 : i32
    %c0_i32_1 = arith.constant 0 : i32
    return %arg0, %c0_i32, %c0_i32_0 : i32, i32, i32
  }
}

</mosaic_0001>

<sc_bundles>
// kernel: kernel.4.cloned.1.call-start
scs
__scs_entry_jumppad:
0x0: {  	(pc) =	sbr.rel $0x88, $3  }
0x1: {  	(tag) =	ssettag $0x0;
	lr =	simm.s32 $0x1  }
0x2: {  	[smem:$0x3F9E] =	sst lr;
	_ =	strace $0xD0000000  }
0x3: {  	_ = 	snop  }
0x4: {  	_ = 	snop  }
0x5: {  	_ = 	snop  }
0x6: {  	_ = 	snop  }
0x7: {  	_ = 	snop  }
__scs_overlays_trampoline_lowered:
0x8: {  	[smem:$0x3FAD] =	sst s0  }
0x9: {  	[smem:$0x3FAE] =	sst s1  }
0xa: {  	[smem:$0x3FAF] =	sst s2  }
0xb: {  	[smem:$0x3FB0] =	sst s3  }
0xc: {  	[smem:$0x3FB1] =	sst s4  }
0xd: {  	[smem:$0x3FB2] =	sst s5  }
0xe: {  	[smem:$0x3FB3] =	sst s6  }
0xf: {  	[smem:$0x3FB4] =	sst s7  }
0x10: {  	[smem:$0x3FB5] =	sst s8  }
0x11: {  	[smem:$0x3FB6] =	sst s9;
	s0 =	simm.s32 @!p0 $0x0  }
0x12: {  	s1 =	sld [smem:$0x3F9C];
	s0 =	simm.s32 @p0 $0x1  }
0x13: {  	[smem:$0x3FB7] =	sst s0;
	s0 =	simm.s32 @!p1 $0x0  }
0x14: {  	s2 =	sld [smem:$0x3F9B];
	s0 =	simm.s32 @p1 $0x1  }
0x15: {  	[smem:$0x3FB8] =	sst s0;
	s0 =	simm.s32 @!p2 $0x0  }
0x16: {  	s3 =	sld [smem:$0x3FDB];
	s0 =	simm.s32 @p2 $0x1  }
0x17: {  	s4 =	simm.s32 $0x1BF5;
	[smem:$0x3FBA] =	sst s0  }
0x18: {  	s0 =	sld [smem:$0x3F9D];
	_ =	swait.ge [sflag:s4], $0x0  }
0x19: {  	s7 =	sld [smem:$0x3F9E]  }
0x1a: {  	s8 =	sadd.s32 $0xFFFFE003, lr  }
0x1b: {  	s9 =	sadd.s32 $0xFFFFFEF7, lr;
	s5 =	simm.s32 $0xFFFFFFFF;
	p2 =	slt.u32 s8, $0xFFFFF086  }
0x1c: {  	p1 =	slt.u32 s9, $0xF7A;
	s5 =	simm.s32 @!p2 $0x0  }
0x1d: {  	s5 =	simm.s32 @p1 $0x1;
	p0 =	seq.s32 s7, s2  }
0x1e: {  	s7 =	smul.u32 @!p0 $0xF7A, s2;
	p2 =	seq.s32 @!p0 s5, $0x0  }
0x1f: {  	s9 =	smul.u32 $0xF7A, s1;
	s8 =	simm.s32 @!p0 $0x1BF5;
	p2 =	por !p2, p0  }
0x20: {  	[sflag:s8] =	ssyncset.s32 @!p0 $0xFFFFF086;
	s6 =	sadd.s32 @!p0 s3, s7;
	s7 =	simm.s32 @!p0 $0x108  }
0x21: {  	s3 =	sadd.s32 s3, s9;
	s6 =	sadd.s32 @!p0 $0x88, s6;
	s7 =	simm.s32 @p2 $0x1082  }
0x22: {  	[simem:s7], [sflag:s8] =	dma.local @!p0 [hbm:s6], $0xF7A  }
0x23: {  	s9 =	sor.u32 $0xD0000000, s2;
	s6 =	simm.s32 $0x108;
	_ =	swait.ge @!p0 [sflag:s8], $0x0  }
0x24: {  	s3 =	sadd.s32 $0x88, s3;
	s6 =	simm.s32 @!p1 $0x1082;
	[sflag:s4] =	ssyncset.s32 $0xFFFFF086  }
0x25: {  	[simem:s6], [sflag:s4] =	dma.local [hbm:s3], $0xF7A  }
0x26: {  	[smem:$0x3F9E] =	sst s1;
	(tag) =	ssettag s2;
	_ =	strace s9  }
0x27: {  	s1 =	sld [smem:$0x3FAE]  }
0x28: {  	s2 =	sld [smem:$0x3FAF]  }
0x29: {  	s4 =	sld [smem:$0x3FB1]  }
0x2a: {  	p0 =	seq.s32 s5, $0x0;
	s5 =	sld [smem:$0x3FB2]  }
0x2b: {  	s6 =	sld [smem:$0x3FB3]  }
0x2c: {  	s7 =	sld [smem:$0x3FB4]  }
0x2d: {  	s3 =	simm.s32 $0x108;
	s8 =	sld [smem:$0x3FB5]  }
0x2e: {  	s3 =	simm.s32 @!p0 $0x1082;
	s9 =	sld [smem:$0x3FB6]  }
0x2f: {  	lr =	sadd.s32 s0, s3;
	s0 =	sld [smem:$0x3FAD]  }
0x30: {  	s3 =	sld [smem:$0x3FB0]  }
0x31: {  	[smem:$0x3FB9] =	sst s10  }
0x32: {  	s10 =	sld [smem:$0x3FB7];
	_ =	sdelay $0x3  }
0x33: {  	p0 =	seq.s32 s10, $0x1;
	s10 =	sld [smem:$0x3FB9];
	_ =	sdelay $0x3  }
0x34: {  	[smem:$0x3FB9] =	sst s10  }
0x35: {  	s10 =	sld [smem:$0x3FB8];
	_ =	sdelay $0x3  }
0x36: {  	p1 =	seq.s32 s10, $0x1;
	s10 =	sld [smem:$0x3FB9];
	_ =	sdelay $0x3  }
0x37: {  	[smem:$0x3FB9] =	sst s10  }
0x38: {  	s10 =	sld [smem:$0x3FBA]  }
0x39: {  	_ = 	snop;
	(pc) =	sbr.ind lr, $3  }
0x3a: {  	_ = 	snop  }
0x3b: {  	_ = 	snop  }
0x3c: {  	p2 =	seq.s32 s10, $0x1;
	s10 =	sld [smem:$0x3FB9]  }
0x3d: {  	_ =	shalt  }
0x3e: {  	_ =	shalt  }
0x3f: {  	_ =	shalt  }
0x40: {  	_ =	shalt  }
0x41: {  	_ =	shalt  }
0x42: {  	_ =	shalt  }
0x43: {  	_ =	shalt  }
0x44: {  	_ =	shalt  }
0x45: {  	_ =	shalt  }
0x46: {  	_ =	shalt  }
0x47: {  	_ =	shalt  }
0x48: {  	_ =	shalt  }
0x49: {  	_ =	shalt  }
0x4a: {  	_ =	shalt  }
0x4b: {  	_ =	shalt  }
0x4c: {  	_ =	shalt  }
0x4d: {  	_ =	shalt  }
0x4e: {  	_ =	shalt  }
0x4f: {  	_ =	shalt  }
0x50: {  	_ =	shalt  }
0x51: {  	_ =	shalt  }
0x52: {  	_ =	shalt  }
0x53: {  	_ =	shalt  }
0x54: {  	_ =	shalt  }
0x55: {  	_ =	shalt  }
0x56: {  	_ =	shalt  }
0x57: {  	_ =	shalt  }
0x58: {  	_ =	shalt  }
0x59: {  	_ =	shalt  }
0x5a: {  	_ =	shalt  }
0x5b: {  	_ =	shalt  }
0x5c: {  	_ =	shalt  }
0x5d: {  	_ =	shalt  }
0x5e: {  	_ =	shalt  }
0x5f: {  	_ =	shalt  }
0x60: {  	_ =	shalt  }
0x61: {  	_ =	shalt  }
0x62: {  	_ =	shalt  }
0x63: {  	_ =	shalt  }
0x64: {  	_ =	shalt  }
0x65: {  	_ =	shalt  }
0x66: {  	_ =	shalt  }
0x67: {  	_ =	shalt  }
0x68: {  	_ =	shalt  }
0x69: {  	_ =	shalt  }
0x6a: {  	_ =	shalt  }
0x6b: {  	_ =	shalt  }
0x6c: {  	_ =	shalt  }
0x6d: {  	_ =	shalt  }
0x6e: {  	_ =	shalt  }
0x6f: {  	_ =	shalt  }
0x70: {  	_ =	shalt  }
0x71: {  	_ =	shalt  }
0x72: {  	_ =	shalt  }
0x73: {  	_ =	shalt  }
0x74: {  	_ =	shalt  }
0x75: {  	_ =	shalt  }
0x76: {  	_ =	shalt  }
0x77: {  	_ =	shalt  }
0x78: {  	_ =	shalt  }
0x79: {  	_ =	shalt  }
0x7a: {  	_ =	shalt  }
0x7b: {  	_ =	shalt  }
0x7c: {  	_ =	shalt  }
0x7d: {  	_ =	shalt  }
0x7e: {  	_ =	shalt  }
0x7f: {  	_ =	shalt  }
0x80: {  	_ =	shalt  }
0x81: {  	_ =	shalt  }
0x82: {  	_ =	shalt  }
0x83: {  	_ =	shalt  }
0x84: {  	_ =	shalt  }
0x85: {  	_ =	shalt  }
0x86: {  	_ =	shalt  }
0x87: {  	_ =	shalt  }
.Lfunc_end0:
.L_simem_size_0:
called_computation_lowered:
.L_overlay_start_0:
0x88: {  	s2 =	sld [smem:$0x3FD9]  }
0x89: {  	s3 =	sld [smem:$0x3FFE];
	_ =	sdelay $0x1  }
0x8a: {  	s1 =	srdreg.scid  }
0x8b: {  	s0 =	sand.u32 $0x1, s1  }
0x8c: {  	s18 =	sshll.u32 s0, $0xA;
	s2 =	sadd.s32 s3, s2  }
0x8d: {  	s2 =	sadd.s32 s2, s18  }
0x8e: {  	[smem:$0x3FC5] =	sst s2  }
0x8f: {  	_ = 	snop  }
0x90: {  	s2 =	sld [smem:$0x3FC8]  }
0x91: {  	s19 =	sld [smem:$0x3FC7]  }
0x92: {  	s4 =	sld [smem:$0x3FD0];
	(tm) =	ssettm $0x1  }
0x93: {  	s5 =	sld [smem:$0x3FFB];
	_ =	sdelay $0x3  }
0x94: {  	_ =	strace s5  }
0x95: {  	s5 =	sld [smem:$0x3FFC];
	_ =	sdelay $0x3  }
0x96: {  	_ =	strace s5  }
0x97: {  	s5 =	sld [smem:$0x3FFD];
	_ =	sdelay $0x3  }
0x98: {  	_ =	strace s5  }
0x99: {  	_ =	strace $0x8FFFFFFF  }
0x9a: {  	s20 =	sld [smem:$0x3FDB];
	_ =	sdelay $0x1  }
0x9b: {  	s6 =	simm.s32 $_scs_section_size  }
0x9c: {  	s7 =	simm.s32 $_size__tile_overlayer_lowered;
	s8 =	simm.s32 $_tile_overlayer_lowered  }
0x9d: {  	s23 =	simm.s32 $0x1BFF;
	s22 =	sshll.u32 s8, $0x1;
	s5 =	sadd.s32 s6, s20  }
0x9e: {  	s9 =	simm.s32 $0x0;
	s21 =	sshll.u32 s7, $0x1;
	s7 =	sadd.s32 s22, s5  }
0x9f: {  	[timem:s9], [sflag:s23] =	dma.local [hbm:s7], s21  }
0xa0: {  	_ =	swait.ge [sflag:s23], s21  }
0xa1: {  	s6 =	ssub.s32 $0x0, s21;
	[sflag:s23] =	ssyncset.done $0x0  }
0xa2: {  	[sflag:s23] =	ssyncadd.s32 s6;
	_ =	sdelay $0x1  }
0xa3: {  	s24 =	simm.s32 $0x1B8B  }
0xa4: {  	_ =	swait.ge [sflag:s24], $0x1  }
0xa5: {  	[sflag:s24] =	ssyncset.done $0x0  }
0xa6: {  	s25 =	simm.s32 $0x1B8E;
	[sflag:s24] =	ssyncadd.s32 $0xFFFFFFFF  }
0xa7: {  	s26 =	simm.s32 $execute0_lowered;
	[smem:$0x3FD2] =	sst s25  }
0xa8: {  	s6 =	sshll.u32 s26, $0x1;
	_ =	strace $0x80000046;
	[dreg:$0x1] =	wrdreg $0xFFFFFFFF  }
0xa9: {  	s28 =	simm.s32 $_size_execute0_lowered;
	s5 =	sadd.s32 s5, s6;
	[dreg:$0x0] =	wrdreg $0x0  }
0xaa: {  	s6 =	sshll.u32 s28, $0x1;
	[dreg:$0x2] =	wrdreg s5  }
0xab: {  	[dreg:$0x3] =	wrdreg s6  }
0xac: {  	[dreg:$0x4] =	wrdreg $0xC0  }
0xad: {  	_ =	task [dreg:s9], $0x5FFFF  }
0xae: {  	[dreg:$0x1] =	wrdreg $0xFFFFFFFF  }
0xaf: {  	[dreg:$0x0] =	wrdreg $0x60  }
0xb0: {  	[dreg:$0x2] =	wrdreg s2  }
0xb1: {  	[dreg:$0x3] =	wrdreg s19  }
0xb2: {  	[dreg:$0x4] =	wrdreg s4  }
0xb3: {  	[dreg:$0x5] =	wrdreg $0x9  }
0xb4: {  	_ =	task.clear_ibuf [dreg:s9], $0x6FFFF;
	_ =	strace $0x90000046  }
0xb5: {  	s29 =	simm.s32 $0x9;
	_ =	strace $0x80000048  }
0xb6: {  	_ =	swait.ge [sflag:s29], $0x1  }
0xb7: {  	[sflag:s29] =	ssyncadd.s32 $0xFFFFFFFF  }
0xb8: {  	_ =	strace $0x90000048  }
0xb9: {  	_ =	sfence  }
0xba: {  	s30 =	sld [smem:$0x0];
	_ =	sdelay $0x2  }
0xbb: {  	s31 =	sshll.u32 s1, $0xD;
	s1 =	sshrl.u32 s1, $0x2  }
0xbc: {  	s3 =	sand.u32 $0x4000, s31;
	s1 =	sadd.s32 s1, s30  }
0xbd: {  	s0 =	sor.u32 s3, s0;
	s1 =	sshll.u32 s1, $0x11  }
0xbe: {  	s0 =	sor.u32 s1, s0  }
0xbf: {  	s0 =	sadd.s32 $0x8F2B, s0  }
0xc0: {  	[sflag:s0] =	ssyncadd.remote.s32 $0x1  }
0xc1: {  	_ =	sfence.sel $0xFFFF  }
0xc2: {  	[dreg:$0x0] =	wrdreg $0xFFFFFFFF;
	(pc) =	sbr.abs _section_cstart, $3  }
0xc3: {  	[dreg:$0x1] =	wrdreg $0xFFFFFFFF  }
0xc4: {  	_ =	task.clear_ibuf [dreg:s9], $0x2FFFF;
	_ =	strace $0x9FFFFFFF  }
0xc5: {  	(tm) =	ssettm $0x7FFFFFFF  }
tec
execute0_lowered:
.L_overlay_start_1:
0x0: {  	(tag) =	ssettag $0x1  }
0x1: {  	s1 =	rddreg [dreg:$0x0]  }
0x2: {  	s7 =	rddreg [dreg:$0x1]  }
0x3: {  	s8 =	rddreg [dreg:$0x2]  }
0x4: {  	s0 =	rddreg [dreg:$0x3];
	s4 =	srdreg.scid  }
0x5: {  	s2 =	stileid.u32;
	s3 =	simm.s32 $0x0;
	s13 =	simm.s32 $0xC80  }
0x6: {  	s14 =	simm.s32 $0x1480;
	s15 =	simm.s32 $0x1;
	s4 =	sand.u32 $0x1, s4  }
0x7: {  	s5 =	sshll.u32 s2, $0x1;
	[smem:$0x7FF] =	sst s3;
	p0 =	sgt.u32 s2, $0x1  }
0x8: {  	s5 =	sor.u32 s4, s5;
	_ =	strace $0x80000047;
	s4 =	ssub.s32 $0x2, s4  }
0x9: {  	s6 =	sshll.u32 s5, $0x1;
	s9 =	sshrl.u32 s4, $0x1;
	s10 =	smul.u32 $0x300, s5  }
0xa: {  	s5 =	sadd.s32 $0x100, s1;
	s11 =	sor.u32 $0x40, s6;
	s9 =	ssub.s32 s4, s9  }
0xb: {  	v2 =	vlaneseq.u32;
	vm0 =	vmmov $0xffff;
	vm1 =	vmmov $0xff;
	s4 =	sadd.s32 s7, s6;
	s12 =	smul.u32 $0x180, s11;
	s6 =	sadd.s32 s8, s10  }
0xc: {  	v0 =	vand.u32 $0x7, v2;
	v1 =	vshrl.u32 v2, $0x3;
	v2 =	vor.u32 $0x8, v2;
	s7 =	sadd.s32 s7, s11;
	s9 =	smax.u32 s9, $0x1;
	s10 =	simm.s32 $0x2  }
0xd: {  	v1 =	vmul.u32 $0x8, v1;
	vm2 =	vmmov @!p0 $0xffff;
	vm3 =	vmmov @!p0 $0xff;
	s11 =	simm.s32 $0x80;
	s8 =	sadd.s32 s8, s12;
	s12 =	simm.s32 $0x880  }
.LBB2_1:
0xe: {  	[tilespmem:s3], [sflag:$0x2] =	stream.linear.gather [hbm4b:s4+s3], $0x10, $0x38;
	[tilespmem:$0x1880] =	vst v63  }
0xf: {  	_ =	swait.ge [sflag:s10], $0x10  }
0x10: {  	[sflag:s10] =	ssyncset.done $0x0  }
0x11: {  	[sflag:s10] =	ssyncadd.s32 $0xFFFFFFF0  }
0x12: {  	v3 =	vld [tilespmem:$0x0];
	_ =	sdelay $0x4  }
0x13: {  	v4 =	vshrl.u32 v3, $0x3  }
0x14: {  	v4 =	vmul.u32 $0x18, v4  }
0x15: {  	v3 =	vand.u32 $0x7, v3  }
0x16: {  	v3 =	vor.u32 v3, v4  }
0x17: {  	v4 =	vperm.xlane v3, v0;
	_ =	sdelay $0x1  }
0x18: {  	v4 =	vadd.s32 v1, v4;
	_ =	sdelay $0x1  }
0x19: {  	v3 =	vperm.xlane v3, v2;
	_ =	sdelay $0x1  }
0x1a: {  	v3 =	vadd.s32 v1, v3  }
0x1b: {  	[tilespmem:s11], [sflag:$0x1] =	stream.indirect_vreg.gather [hbm4b:s1+s3], $0x80, v4, vm0, $0xb8;
	[tilespmem:$0x1880] =	vst v63  }
0x1c: {  	_ = 	snop  }
0x1d: {  	[tilespmem:s12], [sflag:$0x1] =	stream.indirect_vreg.gather [hbm4b:s5+s3], $0x80, v4, vm1, $0xb8;
	[tilespmem:$0x1880] =	vst v63  }
0x1e: {  	_ = 	snop  }
0x1f: {  	[tilespmem:s13], [sflag:$0x1] =	stream.indirect_vreg.gather [hbm4b:s1+s3], $0x80, v3, vm0, $0xb8;
	[tilespmem:$0x1880] =	vst v63  }
0x20: {  	_ = 	snop  }
0x21: {  	[tilespmem:s14], [sflag:$0x1] =	stream.indirect_vreg.gather [hbm4b:s5+s3], $0x80, v3, vm1, $0xb8;
	[tilespmem:$0x1880] =	vst v63  }
0x22: {  	_ =	swait.ge [sflag:s15], $0x1800  }
0x23: {  	[sflag:s15] =	ssyncset.done $0x0  }
0x24: {  	[sflag:s15] =	ssyncadd.s32 $0xFFFFE800  }
0x25: {  	[hbm4b:s6+s3] =	stream.linear.scatter [tilespmem:s11], [sflag:$0x2], $0x1800, $0x38;
	[tilespmem:$0x1880] =	vst v63  }
0x26: {  	_ =	swait.ge [sflag:s10], $0x1800  }
0x27: {  	[sflag:s10] =	ssyncset.done $0x0  }
0x28: {  	s16 =	simm.s32 @!p0 $0x0;
	s17 =	simm.s32 @!p0 $0x2;
	[sflag:s10] =	ssyncadd.s32 $0xFFFFE800  }
0x29: {  	[tilespmem:s16], [sflag:$0x2] =	stream.linear.gather @!p0 [hbm4b:s7+s16], $0x10, $0x38;
	[tilespmem:$0x1880] =	vst v63  }
0x2a: {  	_ =	swait.ge @!p0 [sflag:s17], $0x10  }
0x2b: {  	[sflag:s17] =	ssyncset.done @!p0 $0x0  }
0x2c: {  	[sflag:s17] =	ssyncadd.s32 @!p0 $0xFFFFFFF0  }
0x2d: {  	v3 =	vld @!p0 [tilespmem:$0x0];
	_ =	sdelay $0x4  }
0x2e: {  	v4 =	vshrl.u32 @!p0 v3, $0x3  }
0x2f: {  	v4 =	vmul.u32 @!p0 $0x18, v4  }
0x30: {  	v5 =	vlaneseq.u32 @!p0;
	v3 =	vand.u32 @!p0 $0x7, v3  }
0x31: {  	v6 =	vshrl.u32 @!p0 v5, $0x3;
	v3 =	vor.u32 @!p0 v3, v4;
	v4 =	vand.u32 @!p0 $0x7, v5  }
0x32: {  	v6 =	vmul.u32 @!p0 $0x8, v6;
	v4 =	vperm.xlane @!p0 v3, v4;
	_ =	sdelay $0x1  }
0x33: {  	v4 =	vadd.s32 @!p0 v6, v4  }
0x34: {  	v5 =	vor.u32 @!p0 $0x8, v5  }
0x35: {  	v3 =	vperm.xlane @!p0 v3, v5;
	_ =	sdelay $0x1  }
0x36: {  	s18 =	simm.s32 @!p0 $0x80;
	v3 =	vadd.s32 @!p0 v6, v3  }
0x37: {  	[tilespmem:s18], [sflag:$0x1] =	stream.indirect_vreg.gather @!p0 [hbm4b:s1+s16], $0x80, v4, vm2, $0xb8;
	[tilespmem:$0x1880] =	vst v63  }
0x38: {  	s19 =	simm.s32 @!p0 $0x880  }
0x39: {  	[tilespmem:s19], [sflag:$0x1] =	stream.indirect_vreg.gather @!p0 [hbm4b:s5+s16], $0x80, v4, vm3, $0xb8;
	[tilespmem:$0x1880] =	vst v63  }
0x3a: {  	s19 =	simm.s32 @!p0 $0xC80  }
0x3b: {  	[tilespmem:s19], [sflag:$0x1] =	stream.indirect_vreg.gather @!p0 [hbm4b:s1+s16], $0x80, v3, vm2, $0xb8;
	[tilespmem:$0x1880] =	vst v63  }
0x3c: {  	s19 =	simm.s32 @!p0 $0x1480  }
0x3d: {  	[tilespmem:s19], [sflag:$0x1] =	stream.indirect_vreg.gather @!p0 [hbm4b:s5+s16], $0x80, v3, vm3, $0xb8;
	[tilespmem:$0x1880] =	vst v63  }
0x3e: {  	s19 =	simm.s32 @!p0 $0x1  }
0x3f: {  	s9 =	sadd.s32 $0xFFFFFFFF, s9;
	_ =	swait.ge @!p0 [sflag:s19], $0x1800  }
0x40: {  	p1 =	sne.s32 s9, $0x0;
	[sflag:s19] =	ssyncset.done @!p0 $0x0  }
.Ltmp0:
0x41: {  	[sflag:s19] =	ssyncadd.s32 @!p0 $0xFFFFE800;
	(pc) =	sbr.rel @p1 .LBB2_1-.Ltmp0, $4  }
0x42: {  	[hbm4b:s8+s16] =	stream.linear.scatter @!p0 [tilespmem:s18], [sflag:$0x2], $0x1800, $0x38;
	[tilespmem:$0x1880] =	vst v63  }
0x43: {  	_ =	swait.ge @!p0 [sflag:s17], $0x1800  }
0x44: {  	[sflag:s17] =	ssyncset.done @!p0 $0x0  }
0x45: {  	[sflag:s17] =	ssyncadd.s32 @!p0 $0xFFFFE800  }
0x46: {  	_ =	sfence.sel $0x180000  }
0x47: {  	[bflag:$0x0] =	sbarrier.arrive $0xFFFF  }
0x48: {  	p0 =	sne.s32 s2, $0x0;
	_ =	strace $0x90000047  }
0x49: {  	s0 =	sadd.s32 @!p0 $0x100000, s0;
	[bflag:$0x2] =	sbarrier.arrive $0xFFFF  }
0x4a: {  	[sflag:s0] =	ssyncadd.tile.s32 @!p0 $0x1;
	_ =	shalt  }
.Lfunc_end2:
_tile_overlayer_lowered:
.L_overlay_start_2:
0x4b: {  	(tag) =	ssettag $0x2  }
0x4c: {  	s0 =	rddreg [dreg:$0x0];
	s2 =	stileid.u32  }
0x4d: {  	s1 =	rddreg [dreg:$0x1];
	p0 =	sne.s32 s2, $0x0  }
0x4e: {  	s3 =	rddreg [dreg:$0x2];
	[bflag:$0x3] =	sbarrier.arrive $0xFFFF;
	s2 =	simm.s32 @!p0 $0x1C02  }
0x4f: {  	[timem:s3], [sflag:s2] =	dma.local @!p0 [hbm:s0], s1  }
0x50: {  	s0 =	simm.s32 @!p0 $0x2  }
0x51: {  	_ =	swait.ge @!p0 [sflag:s0], s1  }
0x52: {  	s1 =	ssub.s32 @!p0 $0x0, s1;
	[sflag:s0] =	ssyncset.done @!p0 $0x0  }
0x53: {  	[sflag:s0] =	ssyncadd.s32 @!p0 s1  }
0x54: {  	[bflag:$0x3] =	sbarrier.arrive $0xFFFF  }
0x55: {  	_ =	shalt  }

</sc_bundles>
